<compile_context>
chip_gen: v7x
topology: tpu7x:2x2x1
jax: 0.10.2.dev20260603
libtpu: 0.0.44.dev20260713+nightly
codegen_flags: <defaults>
</compile_context>

<pallas_src>
import functools

import jax
import jax.numpy as jnp
from jax import lax
from jax.experimental import pallas as pl
from jax.experimental.pallas import tpu as pltpu
from jax.experimental.pallas import tpu_sc as plsc

Z_NUM = 8192
Z_DIM = 64
N_TOK = 8192
ROW_T = 1024
ARG_C = 2048


def _argmin_body(z_ref, zn_ref, en_ref, emb_ref, idx_ref, counts_ref):
    pid = pl.program_id(0)
    z = z_ref[...]
    e = emb_ref[...]
    z2b = (-2.0 * z).astype(jnp.bfloat16)
    eb = e.astype(jnp.bfloat16)
    zn = zn_ref[...][:, :1]
    en = en_ref[...]

    acc_v = jnp.full((ROW_T, 1), jnp.inf, jnp.float32)
    acc_i = jnp.zeros((ROW_T, 1), jnp.int32)
    for k in range(Z_NUM // ARG_C):
        s2k = lax.dot_general(z2b, eb[k * ARG_C:(k + 1) * ARG_C, :],
                              (((1,), (1,)), ((), ())),
                              preferred_element_type=jnp.float32)
        dk = (zn + en[:, k * ARG_C:(k + 1) * ARG_C]) + s2k
        mk = jnp.min(dk, axis=1, keepdims=True)
        colsk = lax.broadcasted_iota(jnp.int32, dk.shape, 1) + k * ARG_C
        ik = jnp.min(jnp.where(dk == mk, colsk, jnp.int32(Z_NUM)),
                     axis=1, keepdims=True)
        take = mk < acc_v
        acc_i = jnp.where(take, ik, acc_i)
        acc_v = jnp.where(take, mk.astype(jnp.bfloat16).astype(jnp.float32),
                          acc_v)
    idx = acc_i[:, 0]
    idx_ref[0, 0, :] = idx

    cols = lax.broadcasted_iota(jnp.int32, (ROW_T, Z_NUM), 1)
    onehot = (idx[:, None] == cols).astype(jnp.bfloat16)
    ones8 = jnp.ones((8, ROW_T), jnp.bfloat16)
    part = lax.dot_general(ones8, onehot, (((1,), (0,)), ((), ())),
                           preferred_element_type=jnp.float32)[:1, :]

    @pl.when(pid == 0)
    def _():
        counts_ref[...] = jnp.zeros_like(counts_ref)

    counts_ref[...] += part


def _lse_body(erow_ref, emb_ref, se_ref, shd_ref):
    pid = pl.program_id(0)
    er = erow_ref[...]
    e = emb_ref[...]
    g = lax.dot_general(er.astype(jnp.bfloat16), e.astype(jnp.bfloat16),
                        (((1,), (1,)), ((), ())),
                        preferred_element_type=jnp.float32)
    m = jnp.max(g, axis=1, keepdims=True)
    sh = g - m
    se_ref[0, 0, :] = jnp.sum(jnp.exp(sh), axis=1)
    erb = er.astype(jnp.bfloat16)
    gq = lax.dot_general(erb, erb, (((1,), (1,)), ((), ())),
                         preferred_element_type=jnp.float32)
    rows = lax.broadcasted_iota(jnp.int32, (ROW_T, ROW_T), 0)
    cols = lax.broadcasted_iota(jnp.int32, (ROW_T, ROW_T), 1)
    gd = jnp.sum(jnp.where(cols == rows, gq, 0.0), axis=1)
    shd_ref[0, 0, :] = gd - m[:, 0]


def _final_body(z_ref, zvq_ref, counts_ref, qut_ref, enc_ref, perp_ref):
    diff = zvq_ref[...] - z_ref[...]
    loss = jnp.sum(diff * diff)
    qut_ref[...] = jnp.reshape(loss, (1, 1))
    enc_ref[...] = jnp.reshape(loss, (1, 1))
    p = counts_ref[...] * (1.0 / N_TOK)
    ent = -jnp.sum(p * jnp.log(p + 1e-10))
    perp_ref[...] = jnp.reshape(jnp.exp(ent), (1, 1))


def _sc_gather(embedding, idx):
    lanes = 128
    table = jnp.pad(embedding, ((0, 0), (0, lanes - Z_DIM)))
    info = plsc.get_sparse_core_info()
    nw = info.num_cores * info.num_subcores
    b_per_w = N_TOK // nw
    mesh = plsc.VectorSubcoreMesh(core_axis_name="c", subcore_axis_name="s")

    @functools.partial(
        pl.kernel, mesh=mesh,
        out_type=jax.ShapeDtypeStruct((N_TOK, lanes), jnp.float32),
        scratch_types=[
            pltpu.VMEM((b_per_w,), jnp.int32),
            pltpu.VMEM((b_per_w, lanes), jnp.float32),
            pltpu.SemaphoreType.DMA,
        ],
    )
    def gather(table_hbm, idx_hbm, out_hbm, idx_v, rows_v, sem):
        wid = lax.axis_index("s") * info.num_cores + lax.axis_index("c")
        base = wid * b_per_w
        pltpu.sync_copy(idx_hbm.at[pl.ds(base, b_per_w)], idx_v)
        pltpu.async_copy(table_hbm.at[idx_v], rows_v, sem).wait()
        pltpu.sync_copy(rows_v, out_hbm.at[pl.ds(base, b_per_w)])

    return gather(table, idx)[:, :Z_DIM]


def kernel(z, embedding):
    b, d, t = z.shape
    z_flat = jnp.transpose(z, (0, 2, 1)).reshape(-1, d)
    zn = jnp.sum(z_flat ** 2, axis=1)
    en = jnp.sum(embedding ** 2, axis=1)
    grid = N_TOK // ROW_T
    zn_b = jnp.broadcast_to(zn[:, None], (N_TOK, 128))
    en_r = en.reshape(1, Z_NUM)

    idx3, counts = pl.pallas_call(
        _argmin_body,
        grid=(grid,),
        in_specs=[
            pl.BlockSpec((ROW_T, Z_DIM), lambda i: (i, 0)),
            pl.BlockSpec((ROW_T, 128), lambda i: (i, 0)),
            pl.BlockSpec((1, Z_NUM), lambda i: (0, 0)),
            pl.BlockSpec((Z_NUM, Z_DIM), lambda i: (0, 0)),
        ],
        out_specs=[
            pl.BlockSpec((1, 1, ROW_T), lambda i: (i, 0, 0)),
            pl.BlockSpec((1, Z_NUM), lambda i: (0, 0)),
        ],
        out_shape=[
            jax.ShapeDtypeStruct((grid, 1, ROW_T), jnp.int32),
            jax.ShapeDtypeStruct((1, Z_NUM), jnp.float32),
        ],
    )(z_flat, zn_b, en_r, embedding)
    idx = idx3.reshape(N_TOK)

    egrid = Z_NUM // ROW_T
    se3, shd3 = pl.pallas_call(
        _lse_body,
        grid=(egrid,),
        in_specs=[
            pl.BlockSpec((ROW_T, Z_DIM), lambda i: (i, 0)),
            pl.BlockSpec((Z_NUM, Z_DIM), lambda i: (0, 0)),
        ],
        out_specs=[
            pl.BlockSpec((1, 1, ROW_T), lambda i: (i, 0, 0)),
            pl.BlockSpec((1, 1, ROW_T), lambda i: (i, 0, 0)),
        ],
        out_shape=[
            jax.ShapeDtypeStruct((egrid, 1, ROW_T), jnp.float32),
            jax.ShapeDtypeStruct((egrid, 1, ROW_T), jnp.float32),
        ],
    )(embedding, embedding)
    logp_diag = shd3.reshape(Z_NUM) - jnp.log(se3.reshape(Z_NUM))
    sparsity = -jnp.mean(logp_diag)

    z_vq = _sc_gather(embedding, idx)

    qut, enc, perp = pl.pallas_call(
        _final_body,
        in_specs=[
            pl.BlockSpec((N_TOK, Z_DIM), lambda: (0, 0)),
            pl.BlockSpec((N_TOK, Z_DIM), lambda: (0, 0)),
            pl.BlockSpec((1, Z_NUM), lambda: (0, 0)),
        ],
        out_specs=[pl.BlockSpec((1, 1), lambda: (0, 0))] * 3,
        out_shape=[jax.ShapeDtypeStruct((1, 1), jnp.float32)] * 3,
    )(z_flat, z_vq, counts)

    out0 = jnp.transpose(z_vq.reshape(b, t, d), (0, 2, 1))
    return (out0, qut[0, 0], enc[0, 0], perp[0, 0], sparsity)

# --- scband reference (transcript-rebuilt; emitter-appended) ---
"""Pipeline reference for scband-vector-quantizer-12945031430946 (READ-ONLY COPY).

The authoritative reference and input builder live on the scoring server;
editing this copy changes nothing except your own understanding.
"""

import jax, jax.numpy as jnp
import numpy as np

Z_NUM = 8192
Z_DIM = 64

def setup_inputs(seed: int = 0) -> dict:
    key = jax.random.key(seed)
    k1, k2 = jax.random.split(key)
    z = jax.random.normal(k1, (8, Z_DIM, 1024), dtype=jnp.float32)
    embedding = jax.random.normal(k2, (Z_NUM, Z_DIM), dtype=jnp.float32)
    return {"z": z, "embedding": embedding}

def reference(z, embedding):
    # torch module default: training=True, normalize=False (target_norm=None)
    z_t = jnp.transpose(z, (0, 2, 1))  # [B, T, D]
    z_shape = z_t.shape
    z_norm = z_t
    z_flat = z_norm.reshape(-1, z_t.shape[2])  # [B*T, D]
    distances = (jnp.sum(z_flat ** 2, axis=1, keepdims=True)
                 + jnp.sum(embedding ** 2, axis=1)
                 - 2.0 * jnp.matmul(z_flat, embedding.T))
    encoding_idx = jnp.argmin(distances, axis=1)  # [B*T]
    z_vq = jnp.take(embedding, encoding_idx, axis=0).reshape(z_shape)
    # training-branch extras
    encodings = jax.nn.one_hot(encoding_idx, embedding.shape[0], dtype=jnp.float32)
    avg_probs = jnp.mean(encodings, axis=0)
    perplexity = jnp.exp(-jnp.sum(avg_probs * jnp.log(avg_probs + 1e-10)))
    sparsity_logits = jnp.matmul(embedding, embedding.T)
    logp = jax.nn.log_softmax(sparsity_logits, axis=1)
    sparsity = -jnp.mean(jnp.diagonal(logp))  # F.cross_entropy(logits, arange)
    z_qut_loss = jnp.sum((z_vq - jax.lax.stop_gradient(z_norm)) ** 2)
    z_enc_loss = jnp.sum((jax.lax.stop_gradient(z_vq) - z_norm) ** 2)
    z_vq_st = z_norm + jax.lax.stop_gradient(z_vq - z_norm)
    return (jnp.transpose(z_vq_st, (0, 2, 1)), z_qut_loss, z_enc_loss, perplexity, sparsity)

if __name__ == "__main__":
    import jax
    _d = setup_inputs()
    print(jax.jit(kernel)(*tuple(_d.values())))

</pallas_src>

<mosaic_0001>
#map = affine_map<(d0, d1) -> (0, 0)>
#map1 = affine_map<(d0, d1) -> (0)>
module attributes {stable_mosaic.version = 14 : i64} {
  func.func @gather(%arg0: i32, %arg1: i32, %arg2: memref<8192x128xf32, #tpu.memory_space<hbm>>, %arg3: memref<8192xi32, #tpu.memory_space<hbm>>, %arg4: memref<8192x128xf32, #tpu.memory_space<hbm>>, %arg5: memref<256xi32, #tpu.memory_space<vmem>>, %arg6: memref<256x128xf32, #tpu.memory_space<vmem>>, %arg7: memref<!tpu.dma_semaphore, #tpu.memory_space<semaphore_mem>>) attributes {dimension_semantics = [#tpu.dimension_semantics<core_parallel>, #tpu.dimension_semantics<subcore_parallel>], iteration_bounds = array<i64: 2, 16>, scalar_prefetch = 0 : i64, scratch_operands = 3 : i64, tpu.core_type = #tpu.core_type<sc_vector_subcore>, window_params = [{transform_indices = #map}, {transform_indices = #map1}, {transform_indices = #map}]} {
    %mul3A = arith.constant 2 : i32
    %mul3A_0 = arith.muli %arg1, %mul3A : i32
    %add3A = arith.addi %mul3A_0, %arg0 : i32
    %mul3A_1 = arith.constant 256 : i32
    %mul3A_2 = arith.muli %add3A, %mul3A_1 : i32
    "tpu.region"() ({
      %run_scoped3A = tpu.sem_alloc : memref<!tpu.dma_semaphore, #tpu.memory_space<semaphore_mem>>
      %dma_start3A_7 = tpu.memref_slice %arg3[%mul3A_2] : memref<8192xi32, #tpu.memory_space<hbm>> -> memref<256xi32, #tpu.memory_space<hbm>>
      %dma_start3A_8 = tpu.memref_slice %arg3[%mul3A_2] : memref<8192xi32, #tpu.memory_space<hbm>> -> memref<256xi32, #tpu.memory_space<hbm>>
      tpu.enqueue_dma source(%dma_start3A_8 : memref<256xi32, #tpu.memory_space<hbm>>) target(%arg5 : memref<256xi32, #tpu.memory_space<vmem>>) target_semaphore(%run_scoped3A : memref<!tpu.dma_semaphore, #tpu.memory_space<semaphore_mem>>)
      %dma_wait3A_9 = tpu.memref_slice %arg3[%mul3A_2] : memref<8192xi32, #tpu.memory_space<hbm>> -> memref<256xi32, #tpu.memory_space<hbm>>
      %dma_wait3A_10 = tpu.memref_slice %arg3[%mul3A_2] : memref<8192xi32, #tpu.memory_space<hbm>> -> memref<256xi32, #tpu.memory_space<hbm>>
      tpu.wait_dma2 semaphore(%run_scoped3A : memref<!tpu.dma_semaphore, #tpu.memory_space<semaphore_mem>>) src(%dma_wait3A_10 : memref<256xi32, #tpu.memory_space<hbm>>) dst(%arg5 : memref<256xi32, #tpu.memory_space<vmem>>)
      tpu.yield
    }) : () -> ()
    %dma_start3A = arith.constant 0 : i32
    %dma_start3A_3 = arith.constant 0 : i32
    %dma_start3A_4 = tpu.memref_slice %arg2[%dma_start3A, %dma_start3A_3] : memref<8192x128xf32, #tpu.memory_space<hbm>> -> memref<8192x128xf32, #tpu.memory_space<hbm>>
    tpu.enqueue_indirect_dma source(%dma_start3A_4 : memref<8192x128xf32, #tpu.memory_space<hbm>>) target(%arg6 : memref<256x128xf32, #tpu.memory_space<vmem>>) offsets(%arg5 : memref<256xi32, #tpu.memory_space<vmem>>) semaphore(%arg7 : memref<!tpu.dma_semaphore, #tpu.memory_space<semaphore_mem>>)
    %dma_wait3A = arith.constant 0 : i32
    %dma_wait3A_5 = arith.constant 0 : i32
    %dma_wait3A_6 = tpu.memref_slice %arg2[%dma_wait3A, %dma_wait3A_5] : memref<8192x128xf32, #tpu.memory_space<hbm>> -> memref<8192x128xf32, #tpu.memory_space<hbm>>
    tpu.wait_indirect_dma semaphore(%arg7 : memref<!tpu.dma_semaphore, #tpu.memory_space<semaphore_mem>>) src(%dma_wait3A_6 : memref<8192x128xf32, #tpu.memory_space<hbm>>) dst(%arg6 : memref<256x128xf32, #tpu.memory_space<vmem>>)
    "tpu.region"() ({
      %run_scoped3A = tpu.sem_alloc : memref<!tpu.dma_semaphore, #tpu.memory_space<semaphore_mem>>
      %dma_start3A_7 = arith.constant 0 : i32
      %dma_start3A_8 = tpu.memref_slice %arg4[%mul3A_2, %dma_start3A_7] : memref<8192x128xf32, #tpu.memory_space<hbm>> -> memref<256x128xf32, #tpu.memory_space<hbm>>
      %dma_start3A_9 = arith.constant 0 : i32
      %dma_start3A_10 = tpu.memref_slice %arg4[%mul3A_2, %dma_start3A_9] : memref<8192x128xf32, #tpu.memory_space<hbm>> -> memref<256x128xf32, #tpu.memory_space<hbm>>
      tpu.enqueue_dma source(%arg6 : memref<256x128xf32, #tpu.memory_space<vmem>>) target(%dma_start3A_10 : memref<256x128xf32, #tpu.memory_space<hbm>>) target_semaphore(%run_scoped3A : memref<!tpu.dma_semaphore, #tpu.memory_space<semaphore_mem>>)
      %dma_wait3A_11 = arith.constant 0 : i32
      %dma_wait3A_12 = tpu.memref_slice %arg4[%mul3A_2, %dma_wait3A_11] : memref<8192x128xf32, #tpu.memory_space<hbm>> -> memref<256x128xf32, #tpu.memory_space<hbm>>
      %dma_wait3A_13 = arith.constant 0 : i32
      %dma_wait3A_14 = tpu.memref_slice %arg4[%mul3A_2, %dma_wait3A_13] : memref<8192x128xf32, #tpu.memory_space<hbm>> -> memref<256x128xf32, #tpu.memory_space<hbm>>
      tpu.wait_dma2 semaphore(%run_scoped3A : memref<!tpu.dma_semaphore, #tpu.memory_space<semaphore_mem>>) src(%arg6 : memref<256x128xf32, #tpu.memory_space<vmem>>) dst(%dma_wait3A_14 : memref<256x128xf32, #tpu.memory_space<hbm>>)
      tpu.yield
    }) : () -> ()
    return
  }
}

module attributes {stable_mosaic.version = 14 : i64} {
  func.func @_argmin_body(%arg0: i32, %arg1: memref<1024x64xf32, #tpu.memory_space<vmem>>, %arg2: memref<1024x128xf32, #tpu.memory_space<vmem>>, %arg3: memref<1x8192xf32, #tpu.memory_space<vmem>>, %arg4: memref<8192x64xf32, #tpu.memory_space<vmem>>, %arg5: memref<1x1x1024xi32, #tpu.memory_space<vmem>>, %arg6: memref<1x8192xf32, #tpu.memory_space<vmem>>) attributes {dimension_semantics = [#tpu.dimension_semantics<arbitrary>], iteration_bounds = array<i64: 8>, scalar_prefetch = 0 : i64, scratch_operands = 0 : i64, tpu.core_type = #tpu.core_type<tc>, window_params = [{transform_indices = @transform_0, window_bounds = array<i64: 1024, 64>}, {transform_indices = @transform_1, window_bounds = array<i64: 1024, 128>}, {pipeline_mode = #tpu.pipeline_mode<synchronous>, transform_indices = @transform_2, window_bounds = array<i64: 1, 8192>}, {pipeline_mode = #tpu.pipeline_mode<synchronous>, transform_indices = @transform_3, window_bounds = array<i64: 8192, 64>}, {transform_indices = @transform_4, window_bounds = array<i64: 1, 1, 1024>}, {pipeline_mode = #tpu.pipeline_mode<synchronous>, transform_indices = @transform_5, window_bounds = array<i64: 1, 8192>}]} {
    %get3A = arith.constant 0 : index
    %get3A_0 = arith.constant 0 : index
    %get3A_1 = vector.load %arg1[%get3A, %get3A_0] : memref<1024x64xf32, #tpu.memory_space<vmem>>, vector<1024x64xf32>
    %get3A_2 = arith.constant 0 : index
    %get3A_3 = arith.constant 0 : index
    %get3A_4 = vector.load %arg4[%get3A_2, %get3A_3] : memref<8192x64xf32, #tpu.memory_space<vmem>>, vector<8192x64xf32>
    %mul3A = arith.constant -2.000000e+00 : f32
    %mul3A_5 = vector.broadcast %mul3A : f32 to vector<1024x64xf32>
    %mul3A_6 = arith.mulf %mul3A_5, %get3A_1 : vector<1024x64xf32>
    %convert_element_type3A = arith.truncf %mul3A_6 : vector<1024x64xf32> to vector<1024x64xbf16>
    %convert_element_type3A_7 = arith.truncf %get3A_4 : vector<8192x64xf32> to vector<8192x64xbf16>
    %get3A_8 = arith.constant 0 : index
    %get3A_9 = arith.constant 0 : index
    %get3A_10 = vector.load %arg2[%get3A_8, %get3A_9] : memref<1024x128xf32, #tpu.memory_space<vmem>>, vector<1024x128xf32>
    %slice3A = vector.extract_strided_slice %get3A_10 {offsets = [0, 0], sizes = [1024, 1], strides = [1, 1]} : vector<1024x128xf32> to vector<1024x1xf32>
    %get3A_11 = arith.constant 0 : index
    %get3A_12 = arith.constant 0 : index
    %get3A_13 = vector.load %arg3[%get3A_11, %get3A_12] : memref<1x8192xf32, #tpu.memory_space<vmem>>, vector<1x8192xf32>
    %broadcast_in_dim3A = arith.constant 0x7F800000 : f32
    %broadcast_in_dim3A_14 = vector.broadcast %broadcast_in_dim3A : f32 to vector<1024x1xf32>
    %broadcast_in_dim3A_15 = arith.constant 0 : i32
    %broadcast_in_dim3A_16 = vector.broadcast %broadcast_in_dim3A_15 : i32 to vector<1024x1xi32>
    %slice3A_17 = vector.extract_strided_slice %convert_element_type3A_7 {offsets = [0, 0], sizes = [2048, 64], strides = [1, 1]} : vector<8192x64xbf16> to vector<2048x64xbf16>
    %dot_general3A = arith.constant dense<0.000000e+00> : vector<1024x2048xf32>
    %dot_general3A_18 = tpu.matmul %convert_element_type3A, %slice3A_17, %dot_general3A {dimension_numbers = #tpu.dot_dimension_numbers<[1], [1], [0], [0], [0, 0, 1, 0], [], []>, transpose_lhs_hint = false} : vector<1024x64xbf16>, vector<2048x64xbf16>, vector<1024x2048xf32> -> vector<1024x2048xf32>
    %slice3A_19 = vector.extract_strided_slice %get3A_13 {offsets = [0, 0], sizes = [1, 2048], strides = [1, 1]} : vector<1x8192xf32> to vector<1x2048xf32>
    %add3A = vector.broadcast %slice3A : vector<1024x1xf32> to vector<1024x2048xf32>
    %add3A_20 = vector.broadcast %slice3A_19 : vector<1x2048xf32> to vector<1024x2048xf32>
    %add3A_21 = arith.addf %add3A, %add3A_20 : vector<1024x2048xf32>
    %add3A_22 = arith.addf %add3A_21, %dot_general3A_18 : vector<1024x2048xf32>
    %reduce_min3A = arith.constant dense<0x7F800000> : vector<1024xf32>
    %reduce_min3A_23 = vector.multi_reduction <minimumf>, %add3A_22, %reduce_min3A [1] : vector<1024x2048xf32> to vector<1024xf32>
    %broadcast_in_dim3A_24 = vector.shape_cast %reduce_min3A_23 : vector<1024xf32> to vector<1024x1xf32>
    %iota3A = tpu.iota {dimensions = array<i32: 1>} : vector<1024x2048xi32>
    %add3A_25 = arith.constant 0 : i32
    %add3A_26 = vector.broadcast %add3A_25 : i32 to vector<1024x2048xi32>
    %add3A_27 = arith.addi %iota3A, %add3A_26 : vector<1024x2048xi32>
    %eq3A = vector.broadcast %broadcast_in_dim3A_24 : vector<1024x1xf32> to vector<1024x2048xf32>
    %eq3A_28 = arith.cmpf oeq, %add3A_22, %eq3A : vector<1024x2048xf32>
    %jit3A = arith.constant 8192 : i32
    %broadcast_in_dim3A_29 = vector.broadcast %jit3A : i32 to vector<1024x2048xi32>
    %select_n3A = arith.select %eq3A_28, %add3A_27, %broadcast_in_dim3A_29 : vector<1024x2048xi1>, vector<1024x2048xi32>
    %reduce_min3A_30 = arith.constant dense<2147483647> : vector<1024xi32>
    %reduce_min3A_31 = vector.multi_reduction <minsi>, %select_n3A, %reduce_min3A_30 [1] : vector<1024x2048xi32> to vector<1024xi32>
    %broadcast_in_dim3A_32 = vector.shape_cast %reduce_min3A_31 : vector<1024xi32> to vector<1024x1xi32>
    %lt3A = arith.cmpf olt, %broadcast_in_dim3A_24, %broadcast_in_dim3A_14 : vector<1024x1xf32>
    %select_n3A_33 = arith.select %lt3A, %broadcast_in_dim3A_32, %broadcast_in_dim3A_16 : vector<1024x1xi1>, vector<1024x1xi32>
    %convert_element_type3A_34 = arith.truncf %broadcast_in_dim3A_24 : vector<1024x1xf32> to vector<1024x1xbf16>
    %convert_element_type3A_35 = arith.extf %convert_element_type3A_34 : vector<1024x1xbf16> to vector<1024x1xf32>
    %select_n3A_36 = arith.select %lt3A, %convert_element_type3A_35, %broadcast_in_dim3A_14 : vector<1024x1xi1>, vector<1024x1xf32>
    %slice3A_37 = vector.extract_strided_slice %convert_element_type3A_7 {offsets = [2048, 0], sizes = [2048, 64], strides = [1, 1]} : vector<8192x64xbf16> to vector<2048x64xbf16>
    %dot_general3A_38 = arith.constant dense<0.000000e+00> : vector<1024x2048xf32>
    %dot_general3A_39 = tpu.matmul %convert_element_type3A, %slice3A_37, %dot_general3A_38 {dimension_numbers = #tpu.dot_dimension_numbers<[1], [1], [0], [0], [0, 0, 1, 0], [], []>, transpose_lhs_hint = false} : vector<1024x64xbf16>, vector<2048x64xbf16>, vector<1024x2048xf32> -> vector<1024x2048xf32>
    %slice3A_40 = vector.extract_strided_slice %get3A_13 {offsets = [0, 2048], sizes = [1, 2048], strides = [1, 1]} : vector<1x8192xf32> to vector<1x2048xf32>
    %add3A_41 = vector.broadcast %slice3A : vector<1024x1xf32> to vector<1024x2048xf32>
    %add3A_42 = vector.broadcast %slice3A_40 : vector<1x2048xf32> to vector<1024x2048xf32>
    %add3A_43 = arith.addf %add3A_41, %add3A_42 : vector<1024x2048xf32>
    %add3A_44 = arith.addf %add3A_43, %dot_general3A_39 : vector<1024x2048xf32>
    %reduce_min3A_45 = arith.constant dense<0x7F800000> : vector<1024xf32>
    %reduce_min3A_46 = vector.multi_reduction <minimumf>, %add3A_44, %reduce_min3A_45 [1] : vector<1024x2048xf32> to vector<1024xf32>
    %broadcast_in_dim3A_47 = vector.shape_cast %reduce_min3A_46 : vector<1024xf32> to vector<1024x1xf32>
    %iota3A_48 = tpu.iota {dimensions = array<i32: 1>} : vector<1024x2048xi32>
    %add3A_49 = arith.constant 2048 : i32
    %add3A_50 = vector.broadcast %add3A_49 : i32 to vector<1024x2048xi32>
    %add3A_51 = arith.addi %iota3A_48, %add3A_50 : vector<1024x2048xi32>
    %eq3A_52 = vector.broadcast %broadcast_in_dim3A_47 : vector<1024x1xf32> to vector<1024x2048xf32>
    %eq3A_53 = arith.cmpf oeq, %add3A_44, %eq3A_52 : vector<1024x2048xf32>
    %jit3A_54 = arith.constant 8192 : i32
    %broadcast_in_dim3A_55 = vector.broadcast %jit3A_54 : i32 to vector<1024x2048xi32>
    %select_n3A_56 = arith.select %eq3A_53, %add3A_51, %broadcast_in_dim3A_55 : vector<1024x2048xi1>, vector<1024x2048xi32>
    %reduce_min3A_57 = arith.constant dense<2147483647> : vector<1024xi32>
    %reduce_min3A_58 = vector.multi_reduction <minsi>, %select_n3A_56, %reduce_min3A_57 [1] : vector<1024x2048xi32> to vector<1024xi32>
    %broadcast_in_dim3A_59 = vector.shape_cast %reduce_min3A_58 : vector<1024xi32> to vector<1024x1xi32>
    %lt3A_60 = arith.cmpf olt, %broadcast_in_dim3A_47, %select_n3A_36 : vector<1024x1xf32>
    %select_n3A_61 = arith.select %lt3A_60, %broadcast_in_dim3A_59, %select_n3A_33 : vector<1024x1xi1>, vector<1024x1xi32>
    %convert_element_type3A_62 = arith.truncf %broadcast_in_dim3A_47 : vector<1024x1xf32> to vector<1024x1xbf16>
    %convert_element_type3A_63 = arith.extf %convert_element_type3A_62 : vector<1024x1xbf16> to vector<1024x1xf32>
    %select_n3A_64 = arith.select %lt3A_60, %convert_element_type3A_63, %select_n3A_36 : vector<1024x1xi1>, vector<1024x1xf32>
    %slice3A_65 = vector.extract_strided_slice %convert_element_type3A_7 {offsets = [4096, 0], sizes = [2048, 64], strides = [1, 1]} : vector<8192x64xbf16> to vector<2048x64xbf16>
    %dot_general3A_66 = arith.constant dense<0.000000e+00> : vector<1024x2048xf32>
    %dot_general3A_67 = tpu.matmul %convert_element_type3A, %slice3A_65, %dot_general3A_66 {dimension_numbers = #tpu.dot_dimension_numbers<[1], [1], [0], [0], [0, 0, 1, 0], [], []>, transpose_lhs_hint = false} : vector<1024x64xbf16>, vector<2048x64xbf16>, vector<1024x2048xf32> -> vector<1024x2048xf32>
    %slice3A_68 = vector.extract_strided_slice %get3A_13 {offsets = [0, 4096], sizes = [1, 2048], strides = [1, 1]} : vector<1x8192xf32> to vector<1x2048xf32>
    %add3A_69 = vector.broadcast %slice3A : vector<1024x1xf32> to vector<1024x2048xf32>
    %add3A_70 = vector.broadcast %slice3A_68 : vector<1x2048xf32> to vector<1024x2048xf32>
    %add3A_71 = arith.addf %add3A_69, %add3A_70 : vector<1024x2048xf32>
    %add3A_72 = arith.addf %add3A_71, %dot_general3A_67 : vector<1024x2048xf32>
    %reduce_min3A_73 = arith.constant dense<0x7F800000> : vector<1024xf32>
    %reduce_min3A_74 = vector.multi_reduction <minimumf>, %add3A_72, %reduce_min3A_73 [1] : vector<1024x2048xf32> to vector<1024xf32>
    %broadcast_in_dim3A_75 = vector.shape_cast %reduce_min3A_74 : vector<1024xf32> to vector<1024x1xf32>
    %iota3A_76 = tpu.iota {dimensions = array<i32: 1>} : vector<1024x2048xi32>
    %add3A_77 = arith.constant 4096 : i32
    %add3A_78 = vector.broadcast %add3A_77 : i32 to vector<1024x2048xi32>
    %add3A_79 = arith.addi %iota3A_76, %add3A_78 : vector<1024x2048xi32>
    %eq3A_80 = vector.broadcast %broadcast_in_dim3A_75 : vector<1024x1xf32> to vector<1024x2048xf32>
    %eq3A_81 = arith.cmpf oeq, %add3A_72, %eq3A_80 : vector<1024x2048xf32>
    %jit3A_82 = arith.constant 8192 : i32
    %broadcast_in_dim3A_83 = vector.broadcast %jit3A_82 : i32 to vector<1024x2048xi32>
    %select_n3A_84 = arith.select %eq3A_81, %add3A_79, %broadcast_in_dim3A_83 : vector<1024x2048xi1>, vector<1024x2048xi32>
    %reduce_min3A_85 = arith.constant dense<2147483647> : vector<1024xi32>
    %reduce_min3A_86 = vector.multi_reduction <minsi>, %select_n3A_84, %reduce_min3A_85 [1] : vector<1024x2048xi32> to vector<1024xi32>
    %broadcast_in_dim3A_87 = vector.shape_cast %reduce_min3A_86 : vector<1024xi32> to vector<1024x1xi32>
    %lt3A_88 = arith.cmpf olt, %broadcast_in_dim3A_75, %select_n3A_64 : vector<1024x1xf32>
    %select_n3A_89 = arith.select %lt3A_88, %broadcast_in_dim3A_87, %select_n3A_61 : vector<1024x1xi1>, vector<1024x1xi32>
    %convert_element_type3A_90 = arith.truncf %broadcast_in_dim3A_75 : vector<1024x1xf32> to vector<1024x1xbf16>
    %convert_element_type3A_91 = arith.extf %convert_element_type3A_90 : vector<1024x1xbf16> to vector<1024x1xf32>
    %select_n3A_92 = arith.select %lt3A_88, %convert_element_type3A_91, %select_n3A_64 : vector<1024x1xi1>, vector<1024x1xf32>
    %slice3A_93 = vector.extract_strided_slice %convert_element_type3A_7 {offsets = [6144, 0], sizes = [2048, 64], strides = [1, 1]} : vector<8192x64xbf16> to vector<2048x64xbf16>
    %dot_general3A_94 = arith.constant dense<0.000000e+00> : vector<1024x2048xf32>
    %dot_general3A_95 = tpu.matmul %convert_element_type3A, %slice3A_93, %dot_general3A_94 {dimension_numbers = #tpu.dot_dimension_numbers<[1], [1], [0], [0], [0, 0, 1, 0], [], []>, transpose_lhs_hint = false} : vector<1024x64xbf16>, vector<2048x64xbf16>, vector<1024x2048xf32> -> vector<1024x2048xf32>
    %slice3A_96 = vector.extract_strided_slice %get3A_13 {offsets = [0, 6144], sizes = [1, 2048], strides = [1, 1]} : vector<1x8192xf32> to vector<1x2048xf32>
    %add3A_97 = vector.broadcast %slice3A : vector<1024x1xf32> to vector<1024x2048xf32>
    %add3A_98 = vector.broadcast %slice3A_96 : vector<1x2048xf32> to vector<1024x2048xf32>
    %add3A_99 = arith.addf %add3A_97, %add3A_98 : vector<1024x2048xf32>
    %add3A_100 = arith.addf %add3A_99, %dot_general3A_95 : vector<1024x2048xf32>
    %reduce_min3A_101 = arith.constant dense<0x7F800000> : vector<1024xf32>
    %reduce_min3A_102 = vector.multi_reduction <minimumf>, %add3A_100, %reduce_min3A_101 [1] : vector<1024x2048xf32> to vector<1024xf32>
    %broadcast_in_dim3A_103 = vector.shape_cast %reduce_min3A_102 : vector<1024xf32> to vector<1024x1xf32>
    %iota3A_104 = tpu.iota {dimensions = array<i32: 1>} : vector<1024x2048xi32>
    %add3A_105 = arith.constant 6144 : i32
    %add3A_106 = vector.broadcast %add3A_105 : i32 to vector<1024x2048xi32>
    %add3A_107 = arith.addi %iota3A_104, %add3A_106 : vector<1024x2048xi32>
    %eq3A_108 = vector.broadcast %broadcast_in_dim3A_103 : vector<1024x1xf32> to vector<1024x2048xf32>
    %eq3A_109 = arith.cmpf oeq, %add3A_100, %eq3A_108 : vector<1024x2048xf32>
    %jit3A_110 = arith.constant 8192 : i32
    %broadcast_in_dim3A_111 = vector.broadcast %jit3A_110 : i32 to vector<1024x2048xi32>
    %select_n3A_112 = arith.select %eq3A_109, %add3A_107, %broadcast_in_dim3A_111 : vector<1024x2048xi1>, vector<1024x2048xi32>
    %reduce_min3A_113 = arith.constant dense<2147483647> : vector<1024xi32>
    %reduce_min3A_114 = vector.multi_reduction <minsi>, %select_n3A_112, %reduce_min3A_113 [1] : vector<1024x2048xi32> to vector<1024xi32>
    %broadcast_in_dim3A_115 = vector.shape_cast %reduce_min3A_114 : vector<1024xi32> to vector<1024x1xi32>
    %lt3A_116 = arith.cmpf olt, %broadcast_in_dim3A_103, %select_n3A_92 : vector<1024x1xf32>
    %select_n3A_117 = arith.select %lt3A_116, %broadcast_in_dim3A_115, %select_n3A_89 : vector<1024x1xi1>, vector<1024x1xi32>
    %squeeze3A = vector.shape_cast %select_n3A_117 : vector<1024x1xi32> to vector<1024xi32>
    %swap3A = arith.constant 0 : index
    %swap3A_118 = arith.constant 0 : index
    %swap3A_119 = arith.constant 0 : index
    %swap3A_120 = vector.load %arg5[%swap3A, %swap3A_118, %swap3A_119] : memref<1x1x1024xi32, #tpu.memory_space<vmem>>, vector<1x1x1024xi32>
    %swap3A_121 = vector.shape_cast %swap3A_120 : vector<1x1x1024xi32> to vector<1024xi32>
    %swap3A_122 = vector.shape_cast %squeeze3A : vector<1024xi32> to vector<1x1x1024xi32>
    tpu.vector_store %arg5[%swap3A, %swap3A_118, %swap3A_119], %swap3A_122 {strides = array<i32>} : memref<1x1x1024xi32, #tpu.memory_space<vmem>>, vector<1x1x1024xi32>,
    %iota3A_123 = tpu.iota {dimensions = array<i32: 1>} : vector<1024x8192xi32>
    %broadcast_in_dim3A_124 = vector.shape_cast %squeeze3A : vector<1024xi32> to vector<1024x1xi32>
    %eq3A_125 = vector.broadcast %broadcast_in_dim3A_124 : vector<1024x1xi32> to vector<1024x8192xi32>
    %eq3A_126 = arith.cmpi eq, %eq3A_125, %iota3A_123 : vector<1024x8192xi32>
    %convert_element_type3A_127 = arith.extui %eq3A_126 : vector<1024x8192xi1> to vector<1024x8192xi32>
    %convert_element_type3A_128 = arith.sitofp %convert_element_type3A_127 : vector<1024x8192xi32> to vector<1024x8192xf32>
    %convert_element_type3A_129 = arith.truncf %convert_element_type3A_128 : vector<1024x8192xf32> to vector<1024x8192xbf16>
    %broadcast_in_dim3A_130 = arith.constant 1.000000e+00 : bf16
    %broadcast_in_dim3A_131 = vector.broadcast %broadcast_in_dim3A_130 : bf16 to vector<8x1024xbf16>
    %dot_general3A_132 = arith.constant dense<0.000000e+00> : vector<8x8192xf32>
    %dot_general3A_133 = tpu.matmul %broadcast_in_dim3A_131, %convert_element_type3A_129, %dot_general3A_132 {dimension_numbers = #tpu.dot_dimension_numbers<[1], [0], [0], [1], [0, 0, 1, 1], [], []>, transpose_lhs_hint = false} : vector<8x1024xbf16>, vector<1024x8192xbf16>, vector<8x8192xf32> -> vector<8x8192xf32>
    %slice3A_134 = vector.extract_strided_slice %dot_general3A_133 {offsets = [0, 0], sizes = [1, 8192], strides = [1, 1]} : vector<8x8192xf32> to vector<1x8192xf32>
    %eq3A_135 = arith.constant 0 : i32
    %eq3A_136 = arith.cmpi eq, %arg0, %eq3A_135 : i32
    %convert_element_type3A_137 = arith.extui %eq3A_136 : i1 to i32
    %cond3A = arith.constant 0 : i32
    %cond3A_138 = arith.cmpi ne, %convert_element_type3A_137, %cond3A : i32
    scf.if %cond3A_138 {
      %broadcast_in_dim3A_146 = arith.constant 0.000000e+00 : f32
      %broadcast_in_dim3A_147 = vector.broadcast %broadcast_in_dim3A_146 : f32 to vector<1x8192xf32>
      %swap3A_148 = arith.constant 0 : index
      %swap3A_149 = arith.constant 0 : index
      %swap3A_150 = vector.load %arg6[%swap3A_148, %swap3A_149] : memref<1x8192xf32, #tpu.memory_space<vmem>>, vector<1x8192xf32>
      tpu.vector_store %arg6[%swap3A_148, %swap3A_149], %broadcast_in_dim3A_147 {strides = array<i32>} : memref<1x8192xf32, #tpu.memory_space<vmem>>, vector<1x8192xf32>,
    } else {
    }
    %get3A_139 = arith.constant 0 : index
    %get3A_140 = arith.constant 0 : index
    %get3A_141 = vector.load %arg6[%get3A_139, %get3A_140] : memref<1x8192xf32, #tpu.memory_space<vmem>>, vector<1x8192xf32>
    %add3A_142 = arith.addf %get3A_141, %slice3A_134 : vector<1x8192xf32>
    %swap3A_143 = arith.constant 0 : index
    %swap3A_144 = arith.constant 0 : index
    %swap3A_145 = vector.load %arg6[%swap3A_143, %swap3A_144] : memref<1x8192xf32, #tpu.memory_space<vmem>>, vector<1x8192xf32>
    tpu.vector_store %arg6[%swap3A_143, %swap3A_144], %add3A_142 {strides = array<i32>} : memref<1x8192xf32, #tpu.memory_space<vmem>>, vector<1x8192xf32>,
    return
  }
  func.func @transform_0(%arg0: i32) -> (i32, i32) {
    %c0_i32 = arith.constant 0 : i32
    %c0_i32_0 = arith.constant 0 : i32
    return %arg0, %c0_i32 : i32, i32
  }
  func.func @transform_1(%arg0: i32) -> (i32, i32) {
    %c0_i32 = arith.constant 0 : i32
    %c0_i32_0 = arith.constant 0 : i32
    return %arg0, %c0_i32 : i32, i32
  }
  func.func @transform_2(%arg0: i32) -> (i32, i32) {
    %c0_i32 = arith.constant 0 : i32
    %c0_i32_0 = arith.constant 0 : i32
    %c0_i32_1 = arith.constant 0 : i32
    return %c0_i32, %c0_i32_0 : i32, i32
  }
  func.func @transform_3(%arg0: i32) -> (i32, i32) {
    %c0_i32 = arith.constant 0 : i32
    %c0_i32_0 = arith.constant 0 : i32
    %c0_i32_1 = arith.constant 0 : i32
    return %c0_i32, %c0_i32_0 : i32, i32
  }
  func.func @transform_4(%arg0: i32) -> (i32, i32, i32) {
    %c0_i32 = arith.constant 0 : i32
    %c0_i32_0 = arith.constant 0 : i32
    %c0_i32_1 = arith.constant 0 : i32
    return %arg0, %c0_i32, %c0_i32_0 : i32, i32, i32
  }
  func.func @transform_5(%arg0: i32) -> (i32, i32) {
    %c0_i32 = arith.constant 0 : i32
    %c0_i32_0 = arith.constant 0 : i32
    %c0_i32_1 = arith.constant 0 : i32
    return %c0_i32, %c0_i32_0 : i32, i32
  }
}

module attributes {stable_mosaic.version = 14 : i64} {
  func.func @_lse_body(%arg0: i32, %arg1: memref<1024x64xf32, #tpu.memory_space<vmem>>, %arg2: memref<8192x64xf32, #tpu.memory_space<vmem>>, %arg3: memref<1x1x1024xf32, #tpu.memory_space<vmem>>, %arg4: memref<1x1x1024xf32, #tpu.memory_space<vmem>>) attributes {dimension_semantics = [#tpu.dimension_semantics<arbitrary>], iteration_bounds = array<i64: 8>, scalar_prefetch = 0 : i64, scratch_operands = 0 : i64, tpu.core_type = #tpu.core_type<tc>, window_params = [{transform_indices = @transform_0, window_bounds = array<i64: 1024, 64>}, {pipeline_mode = #tpu.pipeline_mode<synchronous>, transform_indices = @transform_1, window_bounds = array<i64: 8192, 64>}, {transform_indices = @transform_2, window_bounds = array<i64: 1, 1, 1024>}, {transform_indices = @transform_3, window_bounds = array<i64: 1, 1, 1024>}]} {
    %get3A = arith.constant 0 : index
    %get3A_0 = arith.constant 0 : index
    %get3A_1 = vector.load %arg1[%get3A, %get3A_0] : memref<1024x64xf32, #tpu.memory_space<vmem>>, vector<1024x64xf32>
    %get3A_2 = arith.constant 0 : index
    %get3A_3 = arith.constant 0 : index
    %get3A_4 = vector.load %arg2[%get3A_2, %get3A_3] : memref<8192x64xf32, #tpu.memory_space<vmem>>, vector<8192x64xf32>
    %convert_element_type3A = arith.truncf %get3A_1 : vector<1024x64xf32> to vector<1024x64xbf16>
    %convert_element_type3A_5 = arith.truncf %get3A_4 : vector<8192x64xf32> to vector<8192x64xbf16>
    %dot_general3A = arith.constant dense<0.000000e+00> : vector<1024x8192xf32>
    %dot_general3A_6 = tpu.matmul %convert_element_type3A, %convert_element_type3A_5, %dot_general3A {dimension_numbers = #tpu.dot_dimension_numbers<[1], [1], [0], [0], [0, 0, 1, 0], [], []>, transpose_lhs_hint = false} : vector<1024x64xbf16>, vector<8192x64xbf16>, vector<1024x8192xf32> -> vector<1024x8192xf32>
    %reduce_max3A = arith.constant dense<0xFF800000> : vector<1024xf32>
    %reduce_max3A_7 = vector.multi_reduction <maximumf>, %dot_general3A_6, %reduce_max3A [1] : vector<1024x8192xf32> to vector<1024xf32>
    %broadcast_in_dim3A = vector.shape_cast %reduce_max3A_7 : vector<1024xf32> to vector<1024x1xf32>
    %sub3A = vector.broadcast %broadcast_in_dim3A : vector<1024x1xf32> to vector<1024x8192xf32>
    %sub3A_8 = arith.subf %dot_general3A_6, %sub3A : vector<1024x8192xf32>
    %exp3A = math.exp %sub3A_8 : vector<1024x8192xf32>
    %reduce_sum3A = arith.constant dense<0.000000e+00> : vector<1024xf32>
    %reduce_sum3A_9 = vector.multi_reduction <add>, %exp3A, %reduce_sum3A [1] : vector<1024x8192xf32> to vector<1024xf32>
    %swap3A = arith.constant 0 : index
    %swap3A_10 = arith.constant 0 : index
    %swap3A_11 = arith.constant 0 : index
    %swap3A_12 = vector.load %arg3[%swap3A, %swap3A_10, %swap3A_11] : memref<1x1x1024xf32, #tpu.memory_space<vmem>>, vector<1x1x1024xf32>
    %swap3A_13 = vector.shape_cast %swap3A_12 : vector<1x1x1024xf32> to vector<1024xf32>
    %swap3A_14 = vector.shape_cast %reduce_sum3A_9 : vector<1024xf32> to vector<1x1x1024xf32>
    tpu.vector_store %arg3[%swap3A, %swap3A_10, %swap3A_11], %swap3A_14 {strides = array<i32>} : memref<1x1x1024xf32, #tpu.memory_space<vmem>>, vector<1x1x1024xf32>,
    %convert_element_type3A_15 = arith.truncf %get3A_1 : vector<1024x64xf32> to vector<1024x64xbf16>
    %dot_general3A_16 = arith.constant dense<0.000000e+00> : vector<1024x1024xf32>
    %dot_general3A_17 = tpu.matmul %convert_element_type3A_15, %convert_element_type3A_15, %dot_general3A_16 {dimension_numbers = #tpu.dot_dimension_numbers<[1], [1], [0], [0], [0, 0, 1, 0], [], []>, transpose_lhs_hint = false} : vector<1024x64xbf16>, vector<1024x64xbf16>, vector<1024x1024xf32> -> vector<1024x1024xf32>
    %iota3A = tpu.iota {dimensions = array<i32: 0>} : vector<1024x1024xi32>
    %iota3A_18 = tpu.iota {dimensions = array<i32: 1>} : vector<1024x1024xi32>
    %eq3A = arith.cmpi eq, %iota3A_18, %iota3A : vector<1024x1024xi32>
    %jit3A = arith.constant 0.000000e+00 : f32
    %broadcast_in_dim3A_19 = vector.broadcast %jit3A : f32 to vector<1024x1024xf32>
    %select_n3A = arith.select %eq3A, %dot_general3A_17, %broadcast_in_dim3A_19 : vector<1024x1024xi1>, vector<1024x1024xf32>
    %reduce_sum3A_20 = arith.constant dense<0.000000e+00> : vector<1024xf32>
    %reduce_sum3A_21 = vector.multi_reduction <add>, %select_n3A, %reduce_sum3A_20 [1] : vector<1024x1024xf32> to vector<1024xf32>
    %squeeze3A = vector.shape_cast %broadcast_in_dim3A : vector<1024x1xf32> to vector<1024xf32>
    %sub3A_22 = arith.subf %reduce_sum3A_21, %squeeze3A : vector<1024xf32>
    %swap3A_23 = arith.constant 0 : index
    %swap3A_24 = arith.constant 0 : index
    %swap3A_25 = arith.constant 0 : index
    %swap3A_26 = vector.load %arg4[%swap3A_23, %swap3A_24, %swap3A_25] : memref<1x1x1024xf32, #tpu.memory_space<vmem>>, vector<1x1x1024xf32>
    %swap3A_27 = vector.shape_cast %swap3A_26 : vector<1x1x1024xf32> to vector<1024xf32>
    %swap3A_28 = vector.shape_cast %sub3A_22 : vector<1024xf32> to vector<1x1x1024xf32>
    tpu.vector_store %arg4[%swap3A_23, %swap3A_24, %swap3A_25], %swap3A_28 {strides = array<i32>} : memref<1x1x1024xf32, #tpu.memory_space<vmem>>, vector<1x1x1024xf32>,
    return
  }
  func.func @transform_0(%arg0: i32) -> (i32, i32) {
    %c0_i32 = arith.constant 0 : i32
    %c0_i32_0 = arith.constant 0 : i32
    return %arg0, %c0_i32 : i32, i32
  }
  func.func @transform_1(%arg0: i32) -> (i32, i32) {
    %c0_i32 = arith.constant 0 : i32
    %c0_i32_0 = arith.constant 0 : i32
    %c0_i32_1 = arith.constant 0 : i32
    return %c0_i32, %c0_i32_0 : i32, i32
  }
  func.func @transform_2(%arg0: i32) -> (i32, i32, i32) {
    %c0_i32 = arith.constant 0 : i32
    %c0_i32_0 = arith.constant 0 : i32
    %c0_i32_1 = arith.constant 0 : i32
    return %arg0, %c0_i32, %c0_i32_0 : i32, i32, i32
  }
  func.func @transform_3(%arg0: i32) -> (i32, i32, i32) {
    %c0_i32 = arith.constant 0 : i32
    %c0_i32_0 = arith.constant 0 : i32
    %c0_i32_1 = arith.constant 0 : i32
    return %arg0, %c0_i32, %c0_i32_0 : i32, i32, i32
  }
}

module attributes {stable_mosaic.version = 14 : i64} {
  func.func @_final_body(%arg0: memref<8192x64xf32, #tpu.memory_space<vmem>>, %arg1: memref<8192x64xf32, #tpu.memory_space<vmem>>, %arg2: memref<1x8192xf32, #tpu.memory_space<vmem>>, %arg3: memref<1x1xf32, #tpu.memory_space<vmem>>, %arg4: memref<1x1xf32, #tpu.memory_space<vmem>>, %arg5: memref<1x1xf32, #tpu.memory_space<vmem>>) attributes {dimension_semantics = [], scalar_prefetch = 0 : i64, scratch_operands = 0 : i64, tpu.core_type = #tpu.core_type<tc>} {
    %get3A = arith.constant 0 : index
    %get3A_0 = arith.constant 0 : index
    %get3A_1 = vector.load %arg1[%get3A, %get3A_0] : memref<8192x64xf32, #tpu.memory_space<vmem>>, vector<8192x64xf32>
    %get3A_2 = arith.constant 0 : index
    %get3A_3 = arith.constant 0 : index
    %get3A_4 = vector.load %arg0[%get3A_2, %get3A_3] : memref<8192x64xf32, #tpu.memory_space<vmem>>, vector<8192x64xf32>
    %sub3A = arith.subf %get3A_1, %get3A_4 : vector<8192x64xf32>
    %mul3A = arith.mulf %sub3A, %sub3A : vector<8192x64xf32>
    %reduce_sum3A = vector.shape_cast %mul3A : vector<8192x64xf32> to vector<1x8192x64xf32>
    %reduce_sum3A_5 = arith.constant dense<0.000000e+00> : vector<1xf32>
    %reduce_sum3A_6 = vector.multi_reduction <add>, %reduce_sum3A, %reduce_sum3A_5 [1, 2] : vector<1x8192x64xf32> to vector<1xf32>
    %reduce_sum3A_7 = vector.shape_cast %reduce_sum3A_6 : vector<1xf32> to vector<1x1x1xf32>
    %reduce_sum3A_8 = vector.extract %reduce_sum3A_7[0, 0, 0] : f32 from vector<1x1x1xf32>
    %reshape3A = vector.broadcast %reduce_sum3A_8 : f32 to vector<1x1xf32>
    %swap3A = arith.constant 0 : index
    %swap3A_9 = arith.constant 0 : index
    %swap3A_10 = vector.load %arg3[%swap3A, %swap3A_9] : memref<1x1xf32, #tpu.memory_space<vmem>>, vector<1x1xf32>
    tpu.vector_store %arg3[%swap3A, %swap3A_9], %reshape3A {strides = array<i32>} : memref<1x1xf32, #tpu.memory_space<vmem>>, vector<1x1xf32>,
    %reshape3A_11 = vector.broadcast %reduce_sum3A_8 : f32 to vector<1x1xf32>
    %swap3A_12 = arith.constant 0 : index
    %swap3A_13 = arith.constant 0 : index
    %swap3A_14 = vector.load %arg4[%swap3A_12, %swap3A_13] : memref<1x1xf32, #tpu.memory_space<vmem>>, vector<1x1xf32>
    tpu.vector_store %arg4[%swap3A_12, %swap3A_13], %reshape3A_11 {strides = array<i32>} : memref<1x1xf32, #tpu.memory_space<vmem>>, vector<1x1xf32>,
    %get3A_15 = arith.constant 0 : index
    %get3A_16 = arith.constant 0 : index
    %get3A_17 = vector.load %arg2[%get3A_15, %get3A_16] : memref<1x8192xf32, #tpu.memory_space<vmem>>, vector<1x8192xf32>
    %mul3A_18 = arith.constant 1.22070313E-4 : f32
    %mul3A_19 = vector.broadcast %mul3A_18 : f32 to vector<1x8192xf32>
    %mul3A_20 = arith.mulf %get3A_17, %mul3A_19 : vector<1x8192xf32>
    %add3A = arith.constant 1.000000e-10 : f32
    %add3A_21 = vector.broadcast %add3A : f32 to vector<1x8192xf32>
    %add3A_22 = arith.addf %mul3A_20, %add3A_21 : vector<1x8192xf32>
    %log3A = math.log %add3A_22 : vector<1x8192xf32>
    %mul3A_23 = arith.mulf %mul3A_20, %log3A : vector<1x8192xf32>
    %reduce_sum3A_24 = vector.shape_cast %mul3A_23 : vector<1x8192xf32> to vector<1x1x8192xf32>
    %reduce_sum3A_25 = arith.constant dense<0.000000e+00> : vector<1xf32>
    %reduce_sum3A_26 = vector.multi_reduction <add>, %reduce_sum3A_24, %reduce_sum3A_25 [1, 2] : vector<1x1x8192xf32> to vector<1xf32>
    %reduce_sum3A_27 = vector.shape_cast %reduce_sum3A_26 : vector<1xf32> to vector<1x1x1xf32>
    %reduce_sum3A_28 = vector.extract %reduce_sum3A_27[0, 0, 0] : f32 from vector<1x1x1xf32>
    %neg3A = arith.constant 0.000000e+00 : f32
    %neg3A_29 = arith.subf %neg3A, %reduce_sum3A_28 : f32
    %exp3A = math.exp %neg3A_29 : f32
    %reshape3A_30 = vector.broadcast %exp3A : f32 to vector<1x1xf32>
    %swap3A_31 = arith.constant 0 : index
    %swap3A_32 = arith.constant 0 : index
    %swap3A_33 = vector.load %arg5[%swap3A_31, %swap3A_32] : memref<1x1xf32, #tpu.memory_space<vmem>>, vector<1x1xf32>
    tpu.vector_store %arg5[%swap3A_31, %swap3A_32], %reshape3A_30 {strides = array<i32>} : memref<1x1xf32, #tpu.memory_space<vmem>>, vector<1x1xf32>,
    return
  }
}

</mosaic_0001>

<sc_bundles>
// kernel: kernel.6.cloned.1.call-start
scs
__scs_entry_jumppad:
0x0: {  	(pc) =	sbr.rel $0x88, $3  }
0x1: {  	(tag) =	ssettag $0x0;
	lr =	simm.s32 $0x1  }
0x2: {  	[smem:$0x3F9F] =	sst lr;
	_ =	strace $0xD0000000  }
0x3: {  	_ = 	snop  }
0x4: {  	_ = 	snop  }
0x5: {  	_ = 	snop  }
0x6: {  	_ = 	snop  }
0x7: {  	_ = 	snop  }
__scs_overlays_trampoline_lowered:
0x8: {  	[smem:$0x3FAE] =	sst s0  }
0x9: {  	[smem:$0x3FAF] =	sst s1  }
0xa: {  	[smem:$0x3FB0] =	sst s2  }
0xb: {  	[smem:$0x3FB1] =	sst s3  }
0xc: {  	[smem:$0x3FB2] =	sst s4  }
0xd: {  	[smem:$0x3FB3] =	sst s5  }
0xe: {  	[smem:$0x3FB4] =	sst s6  }
0xf: {  	[smem:$0x3FB5] =	sst s7  }
0x10: {  	[smem:$0x3FB6] =	sst s8  }
0x11: {  	[smem:$0x3FB7] =	sst s9;
	s0 =	simm.s32 @!p0 $0x0  }
0x12: {  	s1 =	sld [smem:$0x3F9D];
	s0 =	simm.s32 @p0 $0x1  }
0x13: {  	[smem:$0x3FB8] =	sst s0;
	s0 =	simm.s32 @!p1 $0x0  }
0x14: {  	s2 =	sld [smem:$0x3F9C];
	s0 =	simm.s32 @p1 $0x1  }
0x15: {  	[smem:$0x3FB9] =	sst s0;
	s0 =	simm.s32 @!p2 $0x0  }
0x16: {  	s3 =	sld [smem:$0x3FDB];
	s0 =	simm.s32 @p2 $0x1  }
0x17: {  	s4 =	simm.s32 $0x1BF5;
	[smem:$0x3FBB] =	sst s0  }
0x18: {  	s0 =	sld [smem:$0x3F9E];
	_ =	swait.ge [sflag:s4], $0x0  }
0x19: {  	s7 =	sld [smem:$0x3F9F]  }
0x1a: {  	s8 =	sadd.s32 $0xFFFFE003, lr  }
0x1b: {  	s9 =	sadd.s32 $0xFFFFFEF7, lr;
	s5 =	simm.s32 $0xFFFFFFFF;
	p2 =	slt.u32 s8, $0xFFFFF086  }
0x1c: {  	p1 =	slt.u32 s9, $0xF7A;
	s5 =	simm.s32 @!p2 $0x0  }
0x1d: {  	s5 =	simm.s32 @p1 $0x1;
	p0 =	seq.s32 s7, s2  }
0x1e: {  	s7 =	smul.u32 @!p0 $0xF7A, s2;
	p2 =	seq.s32 @!p0 s5, $0x0  }
0x1f: {  	s9 =	smul.u32 $0xF7A, s1;
	s8 =	simm.s32 @!p0 $0x1BF5;
	p2 =	por !p2, p0  }
0x20: {  	[sflag:s8] =	ssyncset.s32 @!p0 $0xFFFFF086;
	s6 =	sadd.s32 @!p0 s3, s7;
	s7 =	simm.s32 @!p0 $0x108  }
0x21: {  	s3 =	sadd.s32 s3, s9;
	s6 =	sadd.s32 @!p0 $0x88, s6;
	s7 =	simm.s32 @p2 $0x1082  }
0x22: {  	[simem:s7], [sflag:s8] =	dma.local @!p0 [hbm:s6], $0xF7A  }
0x23: {  	s9 =	sor.u32 $0xD0000000, s2;
	s6 =	simm.s32 $0x108;
	_ =	swait.ge @!p0 [sflag:s8], $0x0  }
0x24: {  	s3 =	sadd.s32 $0x88, s3;
	s6 =	simm.s32 @!p1 $0x1082;
	[sflag:s4] =	ssyncset.s32 $0xFFFFF086  }
0x25: {  	[simem:s6], [sflag:s4] =	dma.local [hbm:s3], $0xF7A  }
0x26: {  	[smem:$0x3F9F] =	sst s1;
	(tag) =	ssettag s2;
	_ =	strace s9  }
0x27: {  	s1 =	sld [smem:$0x3FAF]  }
0x28: {  	s2 =	sld [smem:$0x3FB0]  }
0x29: {  	s4 =	sld [smem:$0x3FB2]  }
0x2a: {  	p0 =	seq.s32 s5, $0x0;
	s5 =	sld [smem:$0x3FB3]  }
0x2b: {  	s6 =	sld [smem:$0x3FB4]  }
0x2c: {  	s7 =	sld [smem:$0x3FB5]  }
0x2d: {  	s3 =	simm.s32 $0x108;
	s8 =	sld [smem:$0x3FB6]  }
0x2e: {  	s3 =	simm.s32 @!p0 $0x1082;
	s9 =	sld [smem:$0x3FB7]  }
0x2f: {  	lr =	sadd.s32 s0, s3;
	s0 =	sld [smem:$0x3FAE]  }
0x30: {  	s3 =	sld [smem:$0x3FB1]  }
0x31: {  	[smem:$0x3FBA] =	sst s10  }
0x32: {  	s10 =	sld [smem:$0x3FB8];
	_ =	sdelay $0x3  }
0x33: {  	p0 =	seq.s32 s10, $0x1;
	s10 =	sld [smem:$0x3FBA];
	_ =	sdelay $0x3  }
0x34: {  	[smem:$0x3FBA] =	sst s10  }
0x35: {  	s10 =	sld [smem:$0x3FB9];
	_ =	sdelay $0x3  }
0x36: {  	p1 =	seq.s32 s10, $0x1;
	s10 =	sld [smem:$0x3FBA];
	_ =	sdelay $0x3  }
0x37: {  	[smem:$0x3FBA] =	sst s10  }
0x38: {  	s10 =	sld [smem:$0x3FBB]  }
0x39: {  	_ = 	snop;
	(pc) =	sbr.ind lr, $3  }
0x3a: {  	_ = 	snop  }
0x3b: {  	_ = 	snop  }
0x3c: {  	p2 =	seq.s32 s10, $0x1;
	s10 =	sld [smem:$0x3FBA]  }
0x3d: {  	_ =	shalt  }
0x3e: {  	_ =	shalt  }
0x3f: {  	_ =	shalt  }
0x40: {  	_ =	shalt  }
0x41: {  	_ =	shalt  }
0x42: {  	_ =	shalt  }
0x43: {  	_ =	shalt  }
0x44: {  	_ =	shalt  }
0x45: {  	_ =	shalt  }
0x46: {  	_ =	shalt  }
0x47: {  	_ =	shalt  }
0x48: {  	_ =	shalt  }
0x49: {  	_ =	shalt  }
0x4a: {  	_ =	shalt  }
0x4b: {  	_ =	shalt  }
0x4c: {  	_ =	shalt  }
0x4d: {  	_ =	shalt  }
0x4e: {  	_ =	shalt  }
0x4f: {  	_ =	shalt  }
0x50: {  	_ =	shalt  }
0x51: {  	_ =	shalt  }
0x52: {  	_ =	shalt  }
0x53: {  	_ =	shalt  }
0x54: {  	_ =	shalt  }
0x55: {  	_ =	shalt  }
0x56: {  	_ =	shalt  }
0x57: {  	_ =	shalt  }
0x58: {  	_ =	shalt  }
0x59: {  	_ =	shalt  }
0x5a: {  	_ =	shalt  }
0x5b: {  	_ =	shalt  }
0x5c: {  	_ =	shalt  }
0x5d: {  	_ =	shalt  }
0x5e: {  	_ =	shalt  }
0x5f: {  	_ =	shalt  }
0x60: {  	_ =	shalt  }
0x61: {  	_ =	shalt  }
0x62: {  	_ =	shalt  }
0x63: {  	_ =	shalt  }
0x64: {  	_ =	shalt  }
0x65: {  	_ =	shalt  }
0x66: {  	_ =	shalt  }
0x67: {  	_ =	shalt  }
0x68: {  	_ =	shalt  }
0x69: {  	_ =	shalt  }
0x6a: {  	_ =	shalt  }
0x6b: {  	_ =	shalt  }
0x6c: {  	_ =	shalt  }
0x6d: {  	_ =	shalt  }
0x6e: {  	_ =	shalt  }
0x6f: {  	_ =	shalt  }
0x70: {  	_ =	shalt  }
0x71: {  	_ =	shalt  }
0x72: {  	_ =	shalt  }
0x73: {  	_ =	shalt  }
0x74: {  	_ =	shalt  }
0x75: {  	_ =	shalt  }
0x76: {  	_ =	shalt  }
0x77: {  	_ =	shalt  }
0x78: {  	_ =	shalt  }
0x79: {  	_ =	shalt  }
0x7a: {  	_ =	shalt  }
0x7b: {  	_ =	shalt  }
0x7c: {  	_ =	shalt  }
0x7d: {  	_ =	shalt  }
0x7e: {  	_ =	shalt  }
0x7f: {  	_ =	shalt  }
0x80: {  	_ =	shalt  }
0x81: {  	_ =	shalt  }
0x82: {  	_ =	shalt  }
0x83: {  	_ =	shalt  }
0x84: {  	_ =	shalt  }
0x85: {  	_ =	shalt  }
0x86: {  	_ =	shalt  }
0x87: {  	_ =	shalt  }
.Lfunc_end0:
.L_simem_size_0:
called_computation_lowered:
.L_overlay_start_0:
0x88: {  	s2 =	sld [smem:$0x3FD9]  }
0x89: {  	s3 =	sld [smem:$0x3FFE];
	_ =	sdelay $0x1  }
0x8a: {  	s1 =	srdreg.scid  }
0x8b: {  	s0 =	sand.u32 $0x1, s1  }
0x8c: {  	s14 =	sshll.u32 s0, $0xA;
	s2 =	sadd.s32 s3, s2  }
0x8d: {  	s2 =	sadd.s32 s2, s14  }
0x8e: {  	[smem:$0x3FC6] =	sst s2  }
0x8f: {  	_ = 	snop  }
0x90: {  	s2 =	sld [smem:$0x3FD0];
	_ =	sdelay $0x2  }
0x91: {  	s15 =	simm.s32 $0xA;
	s4 =	simm.s32 $0x10  }
0x92: {  	[smem:s4], [sflag:s15] =	dma.local [hbm:s2], $0x1  }
0x93: {  	_ =	swait.eq [sflag:s15], $0x1  }
0x94: {  	[sflag:s15] =	ssyncset.done $0x0  }
0x95: {  	[sflag:s15] =	ssyncadd.s32 $0xFFFFFFFF  }
0x96: {  	s16 =	sld [smem:$0x10];
	(tm) =	ssettm $0x1  }
0x97: {  	s17 =	sld [smem:$0x3FFB];
	_ =	sdelay $0x3  }
0x98: {  	_ =	strace s17  }
0x99: {  	s3 =	sld [smem:$0x3FFC];
	_ =	sdelay $0x3  }
0x9a: {  	_ =	strace s3  }
0x9b: {  	s3 =	sld [smem:$0x3FFD];
	_ =	sdelay $0x3  }
0x9c: {  	_ =	strace s3  }
0x9d: {  	_ =	strace $0x8FFFFFFF  }
0x9e: {  	s18 =	sld [smem:$0x3FDB];
	_ =	sdelay $0x1  }
0x9f: {  	s19 =	simm.s32 $_scs_section_size  }
0xa0: {  	s5 =	simm.s32 $_size__tile_overlayer_lowered;
	s6 =	simm.s32 $_tile_overlayer_lowered  }
0xa1: {  	s22 =	simm.s32 $0x1BFF;
	s21 =	sshll.u32 s6, $0x1;
	s3 =	sadd.s32 s19, s18  }
0xa2: {  	s7 =	simm.s32 $0x0;
	s20 =	sshll.u32 s5, $0x1;
	s5 =	sadd.s32 s21, s3  }
0xa3: {  	[timem:s7], [sflag:s22] =	dma.local [hbm:s5], s20  }
0xa4: {  	_ =	swait.ge [sflag:s22], s20  }
0xa5: {  	s4 =	ssub.s32 $0x0, s20;
	[sflag:s22] =	ssyncset.done $0x0  }
0xa6: {  	[sflag:s22] =	ssyncadd.s32 s4;
	_ =	sdelay $0x1  }
0xa7: {  	s23 =	simm.s32 $0x1B8B  }
0xa8: {  	_ =	swait.ge [sflag:s23], $0x1  }
0xa9: {  	[sflag:s23] =	ssyncset.done $0x0  }
0xaa: {  	s25 =	simm.s32 $0x1B8E;
	s24 =	sld [smem:$0x3FFE];
	[sflag:s23] =	ssyncadd.s32 $0xFFFFFFFF  }
0xab: {  	s26 =	simm.s32 $execute0_lowered;
	[smem:$0x3FD2] =	sst s25  }
0xac: {  	s5 =	sshll.u32 s26, $0x1;
	_ =	strace $0x80000046;
	[dreg:$0x1] =	wrdreg $0xFFFFFFFF  }
0xad: {  	s28 =	simm.s32 $_size_execute0_lowered;
	s3 =	sadd.s32 s3, s5;
	[dreg:$0x0] =	wrdreg $0x0  }
0xae: {  	s5 =	sshll.u32 s28, $0x1;
	[dreg:$0x2] =	wrdreg s3  }
0xaf: {  	[dreg:$0x3] =	wrdreg s5  }
0xb0: {  	[dreg:$0x4] =	wrdreg $0xC0  }
0xb1: {  	_ =	task [dreg:s7], $0x5FFFF  }
0xb2: {  	[dreg:$0x1] =	wrdreg $0xFFFFFFFF  }
0xb3: {  	[dreg:$0x0] =	wrdreg $0x60  }
0xb4: {  	[dreg:$0x2] =	wrdreg s24  }
0xb5: {  	[dreg:$0x3] =	wrdreg s16  }
0xb6: {  	[dreg:$0x4] =	wrdreg $0x9  }
0xb7: {  	_ =	task.clear_ibuf [dreg:s7], $0x5FFFF;
	_ =	strace $0x90000046  }
0xb8: {  	s29 =	simm.s32 $0x9;
	_ =	strace $0x80000048  }
0xb9: {  	_ =	swait.ge [sflag:s29], $0x1  }
0xba: {  	[sflag:s29] =	ssyncadd.s32 $0xFFFFFFFF  }
0xbb: {  	_ =	strace $0x90000048  }
0xbc: {  	_ =	sfence  }
0xbd: {  	s30 =	sld [smem:$0x0];
	_ =	sdelay $0x2  }
0xbe: {  	s31 =	sshll.u32 s1, $0xD;
	s1 =	sshrl.u32 s1, $0x2  }
0xbf: {  	s3 =	sand.u32 $0x4000, s31;
	s1 =	sadd.s32 s1, s30  }
0xc0: {  	s0 =	sor.u32 s3, s0;
	s1 =	sshll.u32 s1, $0x11  }
0xc1: {  	s0 =	sor.u32 s1, s0  }
0xc2: {  	s0 =	sadd.s32 $0x8F2B, s0  }
0xc3: {  	[sflag:s0] =	ssyncadd.remote.s32 $0x1  }
0xc4: {  	_ =	sfence.sel $0xFFFF  }
0xc5: {  	[dreg:$0x0] =	wrdreg $0xFFFFFFFF;
	(pc) =	sbr.abs _section_cstart, $3  }
0xc6: {  	[dreg:$0x1] =	wrdreg $0xFFFFFFFF  }
0xc7: {  	_ =	task.clear_ibuf [dreg:s7], $0x2FFFF;
	_ =	strace $0x9FFFFFFF  }
0xc8: {  	(tm) =	ssettm $0x7FFFFFFF  }
0xc9: {  	_ =	shalt  }
tec
execute0_lowered:
.L_overlay_start_1:
0x0: {  	(tag) =	ssettag $0x1  }
0x1: {  	s1 =	srdreg.scid  }
0x2: {  	s8 =	rddreg [dreg:$0x0];
	s0 =	stileid.u32  }
0x3: {  	s3 =	rddreg [dreg:$0x1];
	s2 =	simm.s32 $0x0;
	s6 =	sand.u32 $0x1, s1  }
0x4: {  	s4 =	sshll.u32 s0, $0x9;
	s1 =	rddreg [dreg:$0x2];
	s5 =	sshll.u32 s6, $0x8  }
0x5: {  	s7 =	simm.s32 $0x1;
	[smem:$0x7FF] =	sst s2;
	s9 =	sor.u32 s5, s4  }
0x6: {  	_ =	strace $0x80000047;
	s10 =	ssub.s32 $0x2, s6;
	s4 =	sshrl.u32 s9, $0x3  }
0x7: {  	s6 =	simm.s32 $0x100;
	s4 =	sadd.s32 s3, s4;
	s3 =	simm.s32 $0x2  }
0x8: {  	[tilespmem:s2], [sflag:$0x2] =	stream.linear.gather [hbm4b:s4+s2], $0x100, $0x38;
	[tilespmem:$0x8100] =	vst v63  }
0x9: {  	s5 =	sadd.s32 $0x200, s8;
	s11 =	sshrl.u32 s10, $0x1;
	_ =	swait.ge [sflag:s3], $0x100  }
0xa: {  	s9 =	sshll.u32 s9, $0x4;
	s31 =	ssub.s32 s10, s11;
	[sflag:s3] =	ssyncset.done $0x0  }
0xb: {  	s8 =	sadd.s32 s9, s8;
	s9 =	smax.u32 s31, $0x1;
	[sflag:s3] =	ssyncadd.s32 $0xFFFFFF00  }
0xc: {  	[tilespmem:s6], [sflag:$0x1] =	stream.indirect.gather [hbm4b:s5+s6], $0x80, s2, s6, $0xb8;
	[tilespmem:$0x8100] =	vst v63  }
0xd: {  	p0 =	sne.s32 s9, $0x1;
	_ =	swait.ge [sflag:s7], $0x8000  }
.Ltmp0:
0xe: {  	[sflag:s7] =	ssyncset.done $0x0;
	(pc) =	sbr.rel @!p0 .LBB2_2-.Ltmp0, $4  }
0xf: {  	s8 =	sadd.s32 $0x20200, s8;
	[sflag:s7] =	ssyncadd.s32 $0xFFFF8000  }
0x10: {  	[hbm4b:s8+s2] =	stream.linear.scatter [tilespmem:s6], [sflag:$0x2], $0x8000, $0x38;
	[tilespmem:$0x8100] =	vst v63  }
0x11: {  	_ =	swait.ge [sflag:s3], $0x8000  }
0x12: {  	s9 =	sadd.s32 $0xFFFFFFFF, s9;
	[sflag:s3] =	ssyncset.done $0x0  }
.LBB2_1:
0x13: {  	p0 =	sne.s32 s9, $0x1;
	s9 =	sadd.s32 $0xFFFFFFFF, s9;
	[sflag:s3] =	ssyncadd.s32 $0xFFFF8000  }
0x14: {  	[tilespmem:s2], [sflag:$0x2] =	stream.linear.gather [hbm4b:s4+s2], $0x100, $0x38;
	[tilespmem:$0x8100] =	vst v63  }
0x15: {  	_ =	swait.ge [sflag:s3], $0x100  }
0x16: {  	[sflag:s3] =	ssyncset.done $0x0  }
0x17: {  	[sflag:s3] =	ssyncadd.s32 $0xFFFFFF00  }
0x18: {  	[tilespmem:s6], [sflag:$0x1] =	stream.indirect.gather [hbm4b:s5+s6], $0x80, s2, s6, $0xb8;
	[tilespmem:$0x8100] =	vst v63  }
0x19: {  	_ =	swait.ge [sflag:s7], $0x8000  }
.Ltmp1:
0x1a: {  	[sflag:s7] =	ssyncset.done $0x0;
	(pc) =	sbr.rel @p0 .LBB2_1-.Ltmp1, $4  }
0x1b: {  	[sflag:s7] =	ssyncadd.s32 $0xFFFF8000  }
0x1c: {  	[hbm4b:s8+s2] =	stream.linear.scatter [tilespmem:s6], [sflag:$0x2], $0x8000, $0x38;
	[tilespmem:$0x8100] =	vst v63  }
0x1d: {  	_ =	swait.ge [sflag:s3], $0x8000  }
0x1e: {  	[sflag:s3] =	ssyncset.done $0x0  }
.LBB2_2:
0x1f: {  	[sflag:s3] =	ssyncadd.s32 $0xFFFF8000  }
0x20: {  	_ =	sfence.sel $0x180000  }
0x21: {  	[bflag:$0x0] =	sbarrier.arrive $0xFFFF  }
0x22: {  	p0 =	sne.s32 s0, $0x0;
	_ =	strace $0x90000047  }
0x23: {  	s0 =	sadd.s32 @!p0 $0x100000, s1;
	[bflag:$0x2] =	sbarrier.arrive $0xFFFF  }
0x24: {  	[sflag:s0] =	ssyncadd.tile.s32 @!p0 $0x1;
	_ =	shalt  }
.Lfunc_end2:
_tile_overlayer_lowered:
.L_overlay_start_2:
0x25: {  	(tag) =	ssettag $0x2  }
0x26: {  	s0 =	rddreg [dreg:$0x0];
	s2 =	stileid.u32  }
0x27: {  	s1 =	rddreg [dreg:$0x1];
	p0 =	sne.s32 s2, $0x0  }
0x28: {  	s3 =	rddreg [dreg:$0x2];
	[bflag:$0x3] =	sbarrier.arrive $0xFFFF;
	s2 =	simm.s32 @!p0 $0x1C02  }
0x29: {  	[timem:s3], [sflag:s2] =	dma.local @!p0 [hbm:s0], s1  }
0x2a: {  	s0 =	simm.s32 @!p0 $0x2  }
0x2b: {  	_ =	swait.ge @!p0 [sflag:s0], s1  }
0x2c: {  	s1 =	ssub.s32 @!p0 $0x0, s1;
	[sflag:s0] =	ssyncset.done @!p0 $0x0  }
0x2d: {  	[sflag:s0] =	ssyncadd.s32 @!p0 s1  }
0x2e: {  	[bflag:$0x3] =	sbarrier.arrive $0xFFFF  }
0x2f: {  	_ =	shalt  }

</sc_bundles>
